<compile_context>
chip_gen: v7x
topology: tpu7x:2x2x1
jax: 0.10.2.dev20260603
libtpu: 0.0.44.dev20260713+nightly
codegen_flags: <defaults>
</compile_context>

<pallas_src>
import functools

import jax
import jax.numpy as jnp
from jax import lax
from jax.experimental import pallas as pl
from jax.experimental.pallas import tpu as pltpu
from jax.experimental.pallas import tpu_sc as plsc

NKEYS = 26
BATCH = 16384
KEY_BLOCK = (BATCH // 16) * 120
TOTAL = NKEYS * KEY_BLOCK

KPR = 16
KSHIFT = 4
VROW = KEY_BLOCK // KPR
LROW = BATCH // KPR
NROWS = NKEYS * KPR
NWORKERS = 32
RPW = NROWS // NWORKERS
RPW_PAD = 16

_MESH = plsc.VectorSubcoreMesh(core_axis_name="c", subcore_axis_name="s")


def _sc_body(idx_hbm, values_hbm, lengths_hbm, vout_hbm, lout_hbm,
             idx_v, rowids_v, vrows_v, lrows_v, sem, wsem):
    ncores = _MESH.num_cores
    w = lax.axis_index("s") * ncores + lax.axis_index("c")

    pltpu.sync_copy(idx_hbm, idx_v)

    lane = lax.broadcasted_iota(jnp.int32, (16,), 0)
    base = w * RPW
    rows0 = base + lane
    key = jnp.minimum(lax.shift_right_logical(rows0, KSHIFT), NKEYS - 1)
    rem = lax.bitwise_and(rows0, KPR - 1)
    rowids_v[...] = plsc.load_gather(idx_v, [key]) * KPR + rem

    chunks = [(0, 8), (8, 5)]
    gathers = [
        pltpu.async_copy(
            values_hbm.at[rowids_v.at[pl.ds(off, n)]],
            vrows_v.at[pl.ds(off, n)], sem)
        for off, n in chunks
    ]
    gl = pltpu.async_copy(
        lengths_hbm.at[rowids_v.at[pl.ds(0, RPW)]], lrows_v, sem)

    writes = []
    for (off, n), g in zip(chunks, gathers):
        g.wait()
        writes.append(pltpu.async_copy(
            vrows_v.at[pl.ds(off, n)],
            vout_hbm.at[pl.ds(base + off, n)], wsem))
    gl.wait()
    writes.append(pltpu.async_copy(lrows_v, lout_hbm.at[pl.ds(base, RPW)], wsem))
    for c in writes:
        c.wait()


_sc_permute = functools.partial(
    pl.kernel,
    out_type=(
        jax.ShapeDtypeStruct((NROWS, VROW), jnp.float32),
        jax.ShapeDtypeStruct((NROWS, LROW), jnp.int32),
    ),
    mesh=_MESH,
    scratch_types=[
        pltpu.VMEM((NKEYS,), jnp.int32),
        pltpu.VMEM((RPW_PAD,), jnp.int32),
        pltpu.VMEM((RPW, VROW), jnp.float32),
        pltpu.VMEM((RPW, LROW), jnp.int32),
        pltpu.SemaphoreType.DMA,
        pltpu.SemaphoreType.DMA,
    ],
    compiler_params=pltpu.CompilerParams(
        needs_layout_passes=False, use_tc_tiling_on_sc=False),
)(_sc_body)


@jax.jit
def kernel(values, lengths, indices):
    vout, lout = _sc_permute(
        indices,
        values.reshape(NROWS, VROW),
        lengths.reshape(NROWS, LROW),
    )
    return vout.reshape(-1), lout.reshape(-1)

# --- scband reference (transcript-rebuilt; emitter-appended) ---
"""Pipeline reference for scband-kjtpermute-63857573757176 (READ-ONLY COPY).

The authoritative reference and input builder live on the scoring server;
editing this copy changes nothing except your own understanding.
"""

import jax, jax.numpy as jnp
import numpy as np

N_KEYS = 26
BATCH = 16384


def setup_inputs(seed: int = 0) -> dict:
    key = jax.random.key(seed)
    n = N_KEYS * BATCH
    # deterministic jagged lengths (0..15 repeating) so total_values is static
    lengths = (jnp.arange(n) % 16).astype(jnp.int32)
    total = int((n // 16) * 120)  # sum of one 0..15 cycle is 120
    values = jax.random.normal(jax.random.fold_in(key, 1), (total,), dtype=jnp.float32)
    indices = jax.random.permutation(jax.random.fold_in(key, 2), N_KEYS).astype(jnp.int32)
    return {"values": values, "lengths": lengths, "indices": indices}


def reference(values, lengths, indices):
    # KeyedJaggedTensor.permute(indices): reorder the per-key jagged blocks.
    # Layout is feature-major: [key0: batch segments..., key1: ..., ...]
    n_keys = indices.shape[0]
    batch = lengths.shape[0] // n_keys
    total = values.shape[0]
    # exclusive-prefix offsets of each (key, batch) segment in the original values
    offsets = jnp.concatenate([jnp.zeros(1, jnp.int32), jnp.cumsum(lengths).astype(jnp.int32)])
    L = lengths.reshape(n_keys, batch)
    Lp = L[indices]                      # permuted per-key lengths
    flat_len_p = Lp.reshape(-1)
    offsets_p = jnp.concatenate([jnp.zeros(1, jnp.int32), jnp.cumsum(flat_len_p).astype(jnp.int32)])
    # for every output element, which permuted segment it belongs to
    seg_out = jnp.repeat(jnp.arange(n_keys * batch), flat_len_p, total_repeat_length=total)
    pos_in_seg = jnp.arange(total, dtype=jnp.int32) - offsets_p[seg_out]
    # map permuted flat segment id -> original flat segment id
    perm_seg = (indices[:, None].astype(jnp.int32) * batch + jnp.arange(batch, dtype=jnp.int32)[None, :]).reshape(-1)
    src = offsets[perm_seg[seg_out]] + pos_in_seg
    values_out = values[src]
    return values_out, flat_len_p

if __name__ == "__main__":
    import jax
    _d = setup_inputs()
    print(jax.jit(kernel)(*tuple(_d.values())))

</pallas_src>

<mosaic_0001>
#map = affine_map<(d0, d1) -> (0)>
#map1 = affine_map<(d0, d1) -> (0, 0)>
module attributes {stable_mosaic.version = 14 : i64} {
  func.func @_sc_body(%arg0: i32, %arg1: i32, %arg2: memref<26xi32, #tpu.memory_space<hbm>>, %arg3: memref<416x7680xf32, #tpu.memory_space<hbm>>, %arg4: memref<416x1024xi32, #tpu.memory_space<hbm>>, %arg5: memref<416x7680xf32, #tpu.memory_space<hbm>>, %arg6: memref<416x1024xi32, #tpu.memory_space<hbm>>, %arg7: memref<26xi32, #tpu.memory_space<vmem>>, %arg8: memref<16xi32, #tpu.memory_space<vmem>>, %arg9: memref<13x7680xf32, #tpu.memory_space<vmem>>, %arg10: memref<13x1024xi32, #tpu.memory_space<vmem>>, %arg11: memref<!tpu.dma_semaphore, #tpu.memory_space<semaphore_mem>>, %arg12: memref<!tpu.dma_semaphore, #tpu.memory_space<semaphore_mem>>) attributes {dimension_semantics = [#tpu.dimension_semantics<core_parallel>, #tpu.dimension_semantics<subcore_parallel>], iteration_bounds = array<i64: 2, 16>, scalar_prefetch = 0 : i64, scratch_operands = 6 : i64, tpu.core_type = #tpu.core_type<sc_vector_subcore>, window_params = [{transform_indices = #map}, {transform_indices = #map1}, {transform_indices = #map1}, {transform_indices = #map1}, {transform_indices = #map1}]} {
    %mul3A = arith.constant 2 : i32
    %mul3A_0 = arith.muli %arg1, %mul3A : i32
    %add3A = arith.addi %mul3A_0, %arg0 : i32
    "tpu.region"() ({
      %run_scoped3A = tpu.sem_alloc : memref<!tpu.dma_semaphore, #tpu.memory_space<semaphore_mem>>
      tpu.enqueue_dma source(%arg2 : memref<26xi32, #tpu.memory_space<hbm>>) target(%arg7 : memref<26xi32, #tpu.memory_space<vmem>>) target_semaphore(%run_scoped3A : memref<!tpu.dma_semaphore, #tpu.memory_space<semaphore_mem>>)
      tpu.wait_dma2 semaphore(%run_scoped3A : memref<!tpu.dma_semaphore, #tpu.memory_space<semaphore_mem>>) src(%arg2 : memref<26xi32, #tpu.memory_space<hbm>>) dst(%arg7 : memref<26xi32, #tpu.memory_space<vmem>>)
      tpu.yield
    }) : () -> ()
    %iota3A = tpu.iota {dimensions = array<i32: 0>} : vector<16xi32>
    %mul3A_1 = arith.constant 13 : i32
    %mul3A_2 = arith.muli %add3A, %mul3A_1 : i32
    %add3A_3 = vector.broadcast %mul3A_2 : i32 to vector<16xi32>
    %add3A_4 = arith.addi %add3A_3, %iota3A : vector<16xi32>
    %shift_right_logical3A = arith.constant 4 : i32
    %shift_right_logical3A_5 = vector.broadcast %shift_right_logical3A : i32 to vector<16xi32>
    %shift_right_logical3A_6 = arith.shrui %add3A_4, %shift_right_logical3A_5 : vector<16xi32>
    %min3A = arith.constant 25 : i32
    %min3A_7 = vector.broadcast %min3A : i32 to vector<16xi32>
    %min3A_8 = arith.minsi %shift_right_logical3A_6, %min3A_7 : vector<16xi32>
    %and3A = arith.constant 15 : i32
    %and3A_9 = vector.broadcast %and3A : i32 to vector<16xi32>
    %and3A_10 = arith.andi %add3A_4, %and3A_9 : vector<16xi32>
    %gather3A = tpu.vector_load_idx %arg7[%min3A_8] : memref<26xi32, #tpu.memory_space<vmem>>[vector<16xi32>], vector<16xi32>,
    %mul3A_11 = arith.constant 16 : i32
    %mul3A_12 = vector.broadcast %mul3A_11 : i32 to vector<16xi32>
    %mul3A_13 = arith.muli %gather3A, %mul3A_12 : vector<16xi32>
    %add3A_14 = arith.addi %mul3A_13, %and3A_10 : vector<16xi32>
    %swap3A = arith.constant 0 : index
    %swap3A_15 = tpu.vector_load %arg8[%swap3A] {strides = array<i32>} : memref<16xi32, #tpu.memory_space<vmem>>, vector<16xi32>,
    tpu.vector_store %arg8[%swap3A], %add3A_14 {strides = array<i32>} : memref<16xi32, #tpu.memory_space<vmem>>, vector<16xi32>,
    %dma_start3A = arith.constant 0 : i32
    %dma_start3A_16 = arith.constant 0 : i32
    %dma_start3A_17 = tpu.memref_slice %arg9[%dma_start3A, %dma_start3A_16] : memref<13x7680xf32, #tpu.memory_space<vmem>> -> memref<8x7680xf32, #tpu.memory_space<vmem>>
    %dma_start3A_18 = arith.constant 0 : i32
    %dma_start3A_19 = tpu.memref_slice %arg8[%dma_start3A_18] : memref<16xi32, #tpu.memory_space<vmem>> -> memref<8xi32, #tpu.memory_space<vmem>>
    %dma_start3A_20 = arith.constant 0 : i32
    %dma_start3A_21 = arith.constant 0 : i32
    %dma_start3A_22 = tpu.memref_slice %arg3[%dma_start3A_20, %dma_start3A_21] : memref<416x7680xf32, #tpu.memory_space<hbm>> -> memref<416x7680xf32, #tpu.memory_space<hbm>>
    tpu.enqueue_indirect_dma source(%dma_start3A_22 : memref<416x7680xf32, #tpu.memory_space<hbm>>) target(%dma_start3A_17 : memref<8x7680xf32, #tpu.memory_space<vmem>>) offsets(%dma_start3A_19 : memref<8xi32, #tpu.memory_space<vmem>>) semaphore(%arg11 : memref<!tpu.dma_semaphore, #tpu.memory_space<semaphore_mem>>)
    %dma_start3A_23 = arith.constant 8 : i32
    %dma_start3A_24 = arith.constant 0 : i32
    %dma_start3A_25 = tpu.memref_slice %arg9[%dma_start3A_23, %dma_start3A_24] : memref<13x7680xf32, #tpu.memory_space<vmem>> -> memref<5x7680xf32, #tpu.memory_space<vmem>>
    %dma_start3A_26 = arith.constant 8 : i32
    %dma_start3A_27 = tpu.memref_slice %arg8[%dma_start3A_26] : memref<16xi32, #tpu.memory_space<vmem>> -> memref<5xi32, #tpu.memory_space<vmem>>
    %dma_start3A_28 = arith.constant 0 : i32
    %dma_start3A_29 = arith.constant 0 : i32
    %dma_start3A_30 = tpu.memref_slice %arg3[%dma_start3A_28, %dma_start3A_29] : memref<416x7680xf32, #tpu.memory_space<hbm>> -> memref<416x7680xf32, #tpu.memory_space<hbm>>
    tpu.enqueue_indirect_dma source(%dma_start3A_30 : memref<416x7680xf32, #tpu.memory_space<hbm>>) target(%dma_start3A_25 : memref<5x7680xf32, #tpu.memory_space<vmem>>) offsets(%dma_start3A_27 : memref<5xi32, #tpu.memory_space<vmem>>) semaphore(%arg11 : memref<!tpu.dma_semaphore, #tpu.memory_space<semaphore_mem>>)
    %dma_start3A_31 = arith.constant 0 : i32
    %dma_start3A_32 = tpu.memref_slice %arg8[%dma_start3A_31] : memref<16xi32, #tpu.memory_space<vmem>> -> memref<13xi32, #tpu.memory_space<vmem>>
    %dma_start3A_33 = arith.constant 0 : i32
    %dma_start3A_34 = arith.constant 0 : i32
    %dma_start3A_35 = tpu.memref_slice %arg4[%dma_start3A_33, %dma_start3A_34] : memref<416x1024xi32, #tpu.memory_space<hbm>> -> memref<416x1024xi32, #tpu.memory_space<hbm>>
    tpu.enqueue_indirect_dma source(%dma_start3A_35 : memref<416x1024xi32, #tpu.memory_space<hbm>>) target(%arg10 : memref<13x1024xi32, #tpu.memory_space<vmem>>) offsets(%dma_start3A_32 : memref<13xi32, #tpu.memory_space<vmem>>) semaphore(%arg11 : memref<!tpu.dma_semaphore, #tpu.memory_space<semaphore_mem>>)
    %dma_wait3A = arith.constant 0 : i32
    %dma_wait3A_36 = arith.constant 0 : i32
    %dma_wait3A_37 = tpu.memref_slice %arg9[%dma_wait3A, %dma_wait3A_36] : memref<13x7680xf32, #tpu.memory_space<vmem>> -> memref<8x7680xf32, #tpu.memory_space<vmem>>
    %dma_wait3A_38 = arith.constant 0 : i32
    %dma_wait3A_39 = tpu.memref_slice %arg8[%dma_wait3A_38] : memref<16xi32, #tpu.memory_space<vmem>> -> memref<8xi32, #tpu.memory_space<vmem>>
    %dma_wait3A_40 = arith.constant 0 : i32
    %dma_wait3A_41 = arith.constant 0 : i32
    %dma_wait3A_42 = tpu.memref_slice %arg3[%dma_wait3A_40, %dma_wait3A_41] : memref<416x7680xf32, #tpu.memory_space<hbm>> -> memref<416x7680xf32, #tpu.memory_space<hbm>>
    tpu.wait_indirect_dma semaphore(%arg11 : memref<!tpu.dma_semaphore, #tpu.memory_space<semaphore_mem>>) src(%dma_wait3A_42 : memref<416x7680xf32, #tpu.memory_space<hbm>>) dst(%dma_wait3A_37 : memref<8x7680xf32, #tpu.memory_space<vmem>>)
    %add3A_43 = arith.constant 0 : i32
    %add3A_44 = arith.addi %mul3A_2, %add3A_43 : i32
    %dma_start3A_45 = arith.constant 0 : i32
    %dma_start3A_46 = arith.constant 0 : i32
    %dma_start3A_47 = tpu.memref_slice %arg9[%dma_start3A_45, %dma_start3A_46] : memref<13x7680xf32, #tpu.memory_space<vmem>> -> memref<8x7680xf32, #tpu.memory_space<vmem>>
    %dma_start3A_48 = arith.constant 0 : i32
    %dma_start3A_49 = tpu.memref_slice %arg5[%add3A_44, %dma_start3A_48] : memref<416x7680xf32, #tpu.memory_space<hbm>> -> memref<8x7680xf32, #tpu.memory_space<hbm>>
    %dma_start3A_50 = arith.constant 0 : i32
    %dma_start3A_51 = tpu.memref_slice %arg5[%add3A_44, %dma_start3A_50] : memref<416x7680xf32, #tpu.memory_space<hbm>> -> memref<8x7680xf32, #tpu.memory_space<hbm>>
    %dma_start3A_52 = arith.constant 0 : i32
    %dma_start3A_53 = arith.constant 0 : i32
    %dma_start3A_54 = tpu.memref_slice %arg9[%dma_start3A_52, %dma_start3A_53] : memref<13x7680xf32, #tpu.memory_space<vmem>> -> memref<8x7680xf32, #tpu.memory_space<vmem>>
    tpu.enqueue_dma source(%dma_start3A_54 : memref<8x7680xf32, #tpu.memory_space<vmem>>) target(%dma_start3A_51 : memref<8x7680xf32, #tpu.memory_space<hbm>>) target_semaphore(%arg12 : memref<!tpu.dma_semaphore, #tpu.memory_space<semaphore_mem>>)
    %dma_wait3A_55 = arith.constant 8 : i32
    %dma_wait3A_56 = arith.constant 0 : i32
    %dma_wait3A_57 = tpu.memref_slice %arg9[%dma_wait3A_55, %dma_wait3A_56] : memref<13x7680xf32, #tpu.memory_space<vmem>> -> memref<5x7680xf32, #tpu.memory_space<vmem>>
    %dma_wait3A_58 = arith.constant 8 : i32
    %dma_wait3A_59 = tpu.memref_slice %arg8[%dma_wait3A_58] : memref<16xi32, #tpu.memory_space<vmem>> -> memref<5xi32, #tpu.memory_space<vmem>>
    %dma_wait3A_60 = arith.constant 0 : i32
    %dma_wait3A_61 = arith.constant 0 : i32
    %dma_wait3A_62 = tpu.memref_slice %arg3[%dma_wait3A_60, %dma_wait3A_61] : memref<416x7680xf32, #tpu.memory_space<hbm>> -> memref<416x7680xf32, #tpu.memory_space<hbm>>
    tpu.wait_indirect_dma semaphore(%arg11 : memref<!tpu.dma_semaphore, #tpu.memory_space<semaphore_mem>>) src(%dma_wait3A_62 : memref<416x7680xf32, #tpu.memory_space<hbm>>) dst(%dma_wait3A_57 : memref<5x7680xf32, #tpu.memory_space<vmem>>)
    %add3A_63 = arith.constant 8 : i32
    %add3A_64 = arith.addi %mul3A_2, %add3A_63 : i32
    %dma_start3A_65 = arith.constant 8 : i32
    %dma_start3A_66 = arith.constant 0 : i32
    %dma_start3A_67 = tpu.memref_slice %arg9[%dma_start3A_65, %dma_start3A_66] : memref<13x7680xf32, #tpu.memory_space<vmem>> -> memref<5x7680xf32, #tpu.memory_space<vmem>>
    %dma_start3A_68 = arith.constant 0 : i32
    %dma_start3A_69 = tpu.memref_slice %arg5[%add3A_64, %dma_start3A_68] : memref<416x7680xf32, #tpu.memory_space<hbm>> -> memref<5x7680xf32, #tpu.memory_space<hbm>>
    %dma_start3A_70 = arith.constant 0 : i32
    %dma_start3A_71 = tpu.memref_slice %arg5[%add3A_64, %dma_start3A_70] : memref<416x7680xf32, #tpu.memory_space<hbm>> -> memref<5x7680xf32, #tpu.memory_space<hbm>>
    %dma_start3A_72 = arith.constant 8 : i32
    %dma_start3A_73 = arith.constant 0 : i32
    %dma_start3A_74 = tpu.memref_slice %arg9[%dma_start3A_72, %dma_start3A_73] : memref<13x7680xf32, #tpu.memory_space<vmem>> -> memref<5x7680xf32, #tpu.memory_space<vmem>>
    tpu.enqueue_dma source(%dma_start3A_74 : memref<5x7680xf32, #tpu.memory_space<vmem>>) target(%dma_start3A_71 : memref<5x7680xf32, #tpu.memory_space<hbm>>) target_semaphore(%arg12 : memref<!tpu.dma_semaphore, #tpu.memory_space<semaphore_mem>>)
    %dma_wait3A_75 = arith.constant 0 : i32
    %dma_wait3A_76 = tpu.memref_slice %arg8[%dma_wait3A_75] : memref<16xi32, #tpu.memory_space<vmem>> -> memref<13xi32, #tpu.memory_space<vmem>>
    %dma_wait3A_77 = arith.constant 0 : i32
    %dma_wait3A_78 = arith.constant 0 : i32
    %dma_wait3A_79 = tpu.memref_slice %arg4[%dma_wait3A_77, %dma_wait3A_78] : memref<416x1024xi32, #tpu.memory_space<hbm>> -> memref<416x1024xi32, #tpu.memory_space<hbm>>
    tpu.wait_indirect_dma semaphore(%arg11 : memref<!tpu.dma_semaphore, #tpu.memory_space<semaphore_mem>>) src(%dma_wait3A_79 : memref<416x1024xi32, #tpu.memory_space<hbm>>) dst(%arg10 : memref<13x1024xi32, #tpu.memory_space<vmem>>)
    %dma_start3A_80 = arith.constant 0 : i32
    %dma_start3A_81 = tpu.memref_slice %arg6[%mul3A_2, %dma_start3A_80] : memref<416x1024xi32, #tpu.memory_space<hbm>> -> memref<13x1024xi32, #tpu.memory_space<hbm>>
    %dma_start3A_82 = arith.constant 0 : i32
    %dma_start3A_83 = tpu.memref_slice %arg6[%mul3A_2, %dma_start3A_82] : memref<416x1024xi32, #tpu.memory_space<hbm>> -> memref<13x1024xi32, #tpu.memory_space<hbm>>
    tpu.enqueue_dma source(%arg10 : memref<13x1024xi32, #tpu.memory_space<vmem>>) target(%dma_start3A_83 : memref<13x1024xi32, #tpu.memory_space<hbm>>) target_semaphore(%arg12 : memref<!tpu.dma_semaphore, #tpu.memory_space<semaphore_mem>>)
    %dma_wait3A_84 = arith.constant 0 : i32
    %dma_wait3A_85 = arith.constant 0 : i32
    %dma_wait3A_86 = tpu.memref_slice %arg9[%dma_wait3A_84, %dma_wait3A_85] : memref<13x7680xf32, #tpu.memory_space<vmem>> -> memref<8x7680xf32, #tpu.memory_space<vmem>>
    %dma_wait3A_87 = arith.constant 0 : i32
    %dma_wait3A_88 = tpu.memref_slice %arg5[%add3A_44, %dma_wait3A_87] : memref<416x7680xf32, #tpu.memory_space<hbm>> -> memref<8x7680xf32, #tpu.memory_space<hbm>>
    %dma_wait3A_89 = arith.constant 0 : i32
    %dma_wait3A_90 = tpu.memref_slice %arg5[%add3A_44, %dma_wait3A_89] : memref<416x7680xf32, #tpu.memory_space<hbm>> -> memref<8x7680xf32, #tpu.memory_space<hbm>>
    %dma_wait3A_91 = arith.constant 0 : i32
    %dma_wait3A_92 = arith.constant 0 : i32
    %dma_wait3A_93 = tpu.memref_slice %arg9[%dma_wait3A_91, %dma_wait3A_92] : memref<13x7680xf32, #tpu.memory_space<vmem>> -> memref<8x7680xf32, #tpu.memory_space<vmem>>
    tpu.wait_dma2 semaphore(%arg12 : memref<!tpu.dma_semaphore, #tpu.memory_space<semaphore_mem>>) src(%dma_wait3A_93 : memref<8x7680xf32, #tpu.memory_space<vmem>>) dst(%dma_wait3A_90 : memref<8x7680xf32, #tpu.memory_space<hbm>>)
    %dma_wait3A_94 = arith.constant 8 : i32
    %dma_wait3A_95 = arith.constant 0 : i32
    %dma_wait3A_96 = tpu.memref_slice %arg9[%dma_wait3A_94, %dma_wait3A_95] : memref<13x7680xf32, #tpu.memory_space<vmem>> -> memref<5x7680xf32, #tpu.memory_space<vmem>>
    %dma_wait3A_97 = arith.constant 0 : i32
    %dma_wait3A_98 = tpu.memref_slice %arg5[%add3A_64, %dma_wait3A_97] : memref<416x7680xf32, #tpu.memory_space<hbm>> -> memref<5x7680xf32, #tpu.memory_space<hbm>>
    %dma_wait3A_99 = arith.constant 0 : i32
    %dma_wait3A_100 = tpu.memref_slice %arg5[%add3A_64, %dma_wait3A_99] : memref<416x7680xf32, #tpu.memory_space<hbm>> -> memref<5x7680xf32, #tpu.memory_space<hbm>>
    %dma_wait3A_101 = arith.constant 8 : i32
    %dma_wait3A_102 = arith.constant 0 : i32
    %dma_wait3A_103 = tpu.memref_slice %arg9[%dma_wait3A_101, %dma_wait3A_102] : memref<13x7680xf32, #tpu.memory_space<vmem>> -> memref<5x7680xf32, #tpu.memory_space<vmem>>
    tpu.wait_dma2 semaphore(%arg12 : memref<!tpu.dma_semaphore, #tpu.memory_space<semaphore_mem>>) src(%dma_wait3A_103 : memref<5x7680xf32, #tpu.memory_space<vmem>>) dst(%dma_wait3A_100 : memref<5x7680xf32, #tpu.memory_space<hbm>>)
    %dma_wait3A_104 = arith.constant 0 : i32
    %dma_wait3A_105 = tpu.memref_slice %arg6[%mul3A_2, %dma_wait3A_104] : memref<416x1024xi32, #tpu.memory_space<hbm>> -> memref<13x1024xi32, #tpu.memory_space<hbm>>
    %dma_wait3A_106 = arith.constant 0 : i32
    %dma_wait3A_107 = tpu.memref_slice %arg6[%mul3A_2, %dma_wait3A_106] : memref<416x1024xi32, #tpu.memory_space<hbm>> -> memref<13x1024xi32, #tpu.memory_space<hbm>>
    tpu.wait_dma2 semaphore(%arg12 : memref<!tpu.dma_semaphore, #tpu.memory_space<semaphore_mem>>) src(%arg10 : memref<13x1024xi32, #tpu.memory_space<vmem>>) dst(%dma_wait3A_107 : memref<13x1024xi32, #tpu.memory_space<hbm>>)
    return
  }
}

</mosaic_0001>

<sc_bundles>
// kernel: kernel.3.cloned.1.call-start
scs
__scs_entry_jumppad:
0x0: {  	(pc) =	sbr.rel $0x88, $3  }
0x1: {  	(tag) =	ssettag $0x0;
	lr =	simm.s32 $0x1  }
0x2: {  	[smem:$0x3F9E] =	sst lr;
	_ =	strace $0xD0000000  }
0x3: {  	_ = 	snop  }
0x4: {  	_ = 	snop  }
0x5: {  	_ = 	snop  }
0x6: {  	_ = 	snop  }
0x7: {  	_ = 	snop  }
__scs_overlays_trampoline_lowered:
0x8: {  	[smem:$0x3FAD] =	sst s0  }
0x9: {  	[smem:$0x3FAE] =	sst s1  }
0xa: {  	[smem:$0x3FAF] =	sst s2  }
0xb: {  	[smem:$0x3FB0] =	sst s3  }
0xc: {  	[smem:$0x3FB1] =	sst s4  }
0xd: {  	[smem:$0x3FB2] =	sst s5  }
0xe: {  	[smem:$0x3FB3] =	sst s6  }
0xf: {  	[smem:$0x3FB4] =	sst s7  }
0x10: {  	[smem:$0x3FB5] =	sst s8  }
0x11: {  	[smem:$0x3FB6] =	sst s9;
	s0 =	simm.s32 @!p0 $0x0  }
0x12: {  	s1 =	sld [smem:$0x3F9C];
	s0 =	simm.s32 @p0 $0x1  }
0x13: {  	[smem:$0x3FB7] =	sst s0;
	s0 =	simm.s32 @!p1 $0x0  }
0x14: {  	s2 =	sld [smem:$0x3F9B];
	s0 =	simm.s32 @p1 $0x1  }
0x15: {  	[smem:$0x3FB8] =	sst s0;
	s0 =	simm.s32 @!p2 $0x0  }
0x16: {  	s3 =	sld [smem:$0x3FDB];
	s0 =	simm.s32 @p2 $0x1  }
0x17: {  	s4 =	simm.s32 $0x1BF5;
	[smem:$0x3FBA] =	sst s0  }
0x18: {  	s0 =	sld [smem:$0x3F9D];
	_ =	swait.ge [sflag:s4], $0x0  }
0x19: {  	s7 =	sld [smem:$0x3F9E]  }
0x1a: {  	s8 =	sadd.s32 $0xFFFFE003, lr  }
0x1b: {  	s9 =	sadd.s32 $0xFFFFFEF7, lr;
	s5 =	simm.s32 $0xFFFFFFFF;
	p2 =	slt.u32 s8, $0xFFFFF086  }
0x1c: {  	p1 =	slt.u32 s9, $0xF7A;
	s5 =	simm.s32 @!p2 $0x0  }
0x1d: {  	s5 =	simm.s32 @p1 $0x1;
	p0 =	seq.s32 s7, s2  }
0x1e: {  	s7 =	smul.u32 @!p0 $0xF7A, s2;
	p2 =	seq.s32 @!p0 s5, $0x0  }
0x1f: {  	s9 =	smul.u32 $0xF7A, s1;
	s8 =	simm.s32 @!p0 $0x1BF5;
	p2 =	por !p2, p0  }
0x20: {  	[sflag:s8] =	ssyncset.s32 @!p0 $0xFFFFF086;
	s6 =	sadd.s32 @!p0 s3, s7;
	s7 =	simm.s32 @!p0 $0x108  }
0x21: {  	s3 =	sadd.s32 s3, s9;
	s6 =	sadd.s32 @!p0 $0x88, s6;
	s7 =	simm.s32 @p2 $0x1082  }
0x22: {  	[simem:s7], [sflag:s8] =	dma.local @!p0 [hbm:s6], $0xF7A  }
0x23: {  	s9 =	sor.u32 $0xD0000000, s2;
	s6 =	simm.s32 $0x108;
	_ =	swait.ge @!p0 [sflag:s8], $0x0  }
0x24: {  	s3 =	sadd.s32 $0x88, s3;
	s6 =	simm.s32 @!p1 $0x1082;
	[sflag:s4] =	ssyncset.s32 $0xFFFFF086  }
0x25: {  	[simem:s6], [sflag:s4] =	dma.local [hbm:s3], $0xF7A  }
0x26: {  	[smem:$0x3F9E] =	sst s1;
	(tag) =	ssettag s2;
	_ =	strace s9  }
0x27: {  	s1 =	sld [smem:$0x3FAE]  }
0x28: {  	s2 =	sld [smem:$0x3FAF]  }
0x29: {  	s4 =	sld [smem:$0x3FB1]  }
0x2a: {  	p0 =	seq.s32 s5, $0x0;
	s5 =	sld [smem:$0x3FB2]  }
0x2b: {  	s6 =	sld [smem:$0x3FB3]  }
0x2c: {  	s7 =	sld [smem:$0x3FB4]  }
0x2d: {  	s3 =	simm.s32 $0x108;
	s8 =	sld [smem:$0x3FB5]  }
0x2e: {  	s3 =	simm.s32 @!p0 $0x1082;
	s9 =	sld [smem:$0x3FB6]  }
0x2f: {  	lr =	sadd.s32 s0, s3;
	s0 =	sld [smem:$0x3FAD]  }
0x30: {  	s3 =	sld [smem:$0x3FB0]  }
0x31: {  	[smem:$0x3FB9] =	sst s10  }
0x32: {  	s10 =	sld [smem:$0x3FB7];
	_ =	sdelay $0x3  }
0x33: {  	p0 =	seq.s32 s10, $0x1;
	s10 =	sld [smem:$0x3FB9];
	_ =	sdelay $0x3  }
0x34: {  	[smem:$0x3FB9] =	sst s10  }
0x35: {  	s10 =	sld [smem:$0x3FB8];
	_ =	sdelay $0x3  }
0x36: {  	p1 =	seq.s32 s10, $0x1;
	s10 =	sld [smem:$0x3FB9];
	_ =	sdelay $0x3  }
0x37: {  	[smem:$0x3FB9] =	sst s10  }
0x38: {  	s10 =	sld [smem:$0x3FBA]  }
0x39: {  	_ = 	snop;
	(pc) =	sbr.ind lr, $3  }
0x3a: {  	_ = 	snop  }
0x3b: {  	_ = 	snop  }
0x3c: {  	p2 =	seq.s32 s10, $0x1;
	s10 =	sld [smem:$0x3FB9]  }
0x3d: {  	_ =	shalt  }
0x3e: {  	_ =	shalt  }
0x3f: {  	_ =	shalt  }
0x40: {  	_ =	shalt  }
0x41: {  	_ =	shalt  }
0x42: {  	_ =	shalt  }
0x43: {  	_ =	shalt  }
0x44: {  	_ =	shalt  }
0x45: {  	_ =	shalt  }
0x46: {  	_ =	shalt  }
0x47: {  	_ =	shalt  }
0x48: {  	_ =	shalt  }
0x49: {  	_ =	shalt  }
0x4a: {  	_ =	shalt  }
0x4b: {  	_ =	shalt  }
0x4c: {  	_ =	shalt  }
0x4d: {  	_ =	shalt  }
0x4e: {  	_ =	shalt  }
0x4f: {  	_ =	shalt  }
0x50: {  	_ =	shalt  }
0x51: {  	_ =	shalt  }
0x52: {  	_ =	shalt  }
0x53: {  	_ =	shalt  }
0x54: {  	_ =	shalt  }
0x55: {  	_ =	shalt  }
0x56: {  	_ =	shalt  }
0x57: {  	_ =	shalt  }
0x58: {  	_ =	shalt  }
0x59: {  	_ =	shalt  }
0x5a: {  	_ =	shalt  }
0x5b: {  	_ =	shalt  }
0x5c: {  	_ =	shalt  }
0x5d: {  	_ =	shalt  }
0x5e: {  	_ =	shalt  }
0x5f: {  	_ =	shalt  }
0x60: {  	_ =	shalt  }
0x61: {  	_ =	shalt  }
0x62: {  	_ =	shalt  }
0x63: {  	_ =	shalt  }
0x64: {  	_ =	shalt  }
0x65: {  	_ =	shalt  }
0x66: {  	_ =	shalt  }
0x67: {  	_ =	shalt  }
0x68: {  	_ =	shalt  }
0x69: {  	_ =	shalt  }
0x6a: {  	_ =	shalt  }
0x6b: {  	_ =	shalt  }
0x6c: {  	_ =	shalt  }
0x6d: {  	_ =	shalt  }
0x6e: {  	_ =	shalt  }
0x6f: {  	_ =	shalt  }
0x70: {  	_ =	shalt  }
0x71: {  	_ =	shalt  }
0x72: {  	_ =	shalt  }
0x73: {  	_ =	shalt  }
0x74: {  	_ =	shalt  }
0x75: {  	_ =	shalt  }
0x76: {  	_ =	shalt  }
0x77: {  	_ =	shalt  }
0x78: {  	_ =	shalt  }
0x79: {  	_ =	shalt  }
0x7a: {  	_ =	shalt  }
0x7b: {  	_ =	shalt  }
0x7c: {  	_ =	shalt  }
0x7d: {  	_ =	shalt  }
0x7e: {  	_ =	shalt  }
0x7f: {  	_ =	shalt  }
0x80: {  	_ =	shalt  }
0x81: {  	_ =	shalt  }
0x82: {  	_ =	shalt  }
0x83: {  	_ =	shalt  }
0x84: {  	_ =	shalt  }
0x85: {  	_ =	shalt  }
0x86: {  	_ =	shalt  }
0x87: {  	_ =	shalt  }
.Lfunc_end0:
.L_simem_size_0:
called_computation_lowered:
.L_overlay_start_0:
0x88: {  	s2 =	sld [smem:$0x3FD9]  }
0x89: {  	s3 =	sld [smem:$0x3FFE];
	_ =	sdelay $0x1  }
0x8a: {  	s1 =	srdreg.scid  }
0x8b: {  	s0 =	sand.u32 $0x1, s1  }
0x8c: {  	s15 =	sshll.u32 s0, $0xA;
	s2 =	sadd.s32 s3, s2  }
0x8d: {  	s2 =	sadd.s32 s2, s15  }
0x8e: {  	[smem:$0x3FC5] =	sst s2  }
0x8f: {  	_ = 	snop  }
0x90: {  	s2 =	sld [smem:$0x3FD0]  }
0x91: {  	s16 =	sld [smem:$0x3FC9]  }
0x92: {  	s4 =	sld [smem:$0x3FC8]  }
0x93: {  	s6 =	simm.s32 $0xA;
	s7 =	simm.s32 $0x10;
	s5 =	sld [smem:$0x3FC7]  }
0x94: {  	[smem:s7], [sflag:s6] =	dma.local [hbm:s2], $0x1  }
0x95: {  	_ =	swait.eq [sflag:s6], $0x1  }
0x96: {  	[sflag:s6] =	ssyncset.done $0x0  }
0x97: {  	s17 =	sld [smem:$0x10];
	[sflag:s6] =	ssyncadd.s32 $0xFFFFFFFF  }
0x98: {  	s18 =	sld [smem:$0x11];
	(tm) =	ssettm $0x1  }
0x99: {  	s19 =	sld [smem:$0x3FFB];
	_ =	sdelay $0x3  }
0x9a: {  	_ =	strace s19  }
0x9b: {  	s7 =	sld [smem:$0x3FFC];
	_ =	sdelay $0x3  }
0x9c: {  	_ =	strace s7  }
0x9d: {  	s7 =	sld [smem:$0x3FFD];
	_ =	sdelay $0x3  }
0x9e: {  	_ =	strace s7  }
0x9f: {  	_ =	strace $0x8FFFFFFF  }
0xa0: {  	s20 =	sld [smem:$0x3FDB];
	_ =	sdelay $0x1  }
0xa1: {  	s8 =	simm.s32 $_scs_section_size  }
0xa2: {  	s9 =	simm.s32 $_size__tile_overlayer_lowered;
	s10 =	simm.s32 $_tile_overlayer_lowered  }
0xa3: {  	s23 =	simm.s32 $0x1BFF;
	s22 =	sshll.u32 s10, $0x1;
	s7 =	sadd.s32 s8, s20  }
0xa4: {  	s11 =	simm.s32 $0x0;
	s21 =	sshll.u32 s9, $0x1;
	s9 =	sadd.s32 s22, s7  }
0xa5: {  	[timem:s11], [sflag:s23] =	dma.local [hbm:s9], s21  }
0xa6: {  	_ =	swait.ge [sflag:s23], s21  }
0xa7: {  	s8 =	ssub.s32 $0x0, s21;
	[sflag:s23] =	ssyncset.done $0x0  }
0xa8: {  	[sflag:s23] =	ssyncadd.s32 s8;
	_ =	sdelay $0x1  }
0xa9: {  	s24 =	simm.s32 $0x1B8B  }
0xaa: {  	_ =	swait.ge [sflag:s24], $0x1  }
0xab: {  	[sflag:s24] =	ssyncset.done $0x0  }
0xac: {  	s25 =	simm.s32 $0x1B8E;
	[sflag:s24] =	ssyncadd.s32 $0xFFFFFFFF  }
0xad: {  	s26 =	simm.s32 $execute0_lowered;
	[smem:$0x3FD2] =	sst s25  }
0xae: {  	s8 =	sshll.u32 s26, $0x1;
	_ =	strace $0x80000046;
	[dreg:$0x1] =	wrdreg $0xFFFFFFFF  }
0xaf: {  	s28 =	simm.s32 $_size_execute0_lowered;
	s7 =	sadd.s32 s7, s8;
	[dreg:$0x0] =	wrdreg $0x0  }
0xb0: {  	s8 =	sshll.u32 s28, $0x1;
	[dreg:$0x2] =	wrdreg s7  }
0xb1: {  	[dreg:$0x3] =	wrdreg s8  }
0xb2: {  	[dreg:$0x4] =	wrdreg $0xC0  }
0xb3: {  	_ =	task [dreg:s11], $0x5FFFF  }
0xb4: {  	[dreg:$0x1] =	wrdreg $0xFFFFFFFF  }
0xb5: {  	[dreg:$0x0] =	wrdreg $0x60  }
0xb6: {  	[dreg:$0x2] =	wrdreg s5  }
0xb7: {  	[dreg:$0x3] =	wrdreg s16  }
0xb8: {  	[dreg:$0x4] =	wrdreg s4  }
0xb9: {  	[dreg:$0x5] =	wrdreg s17  }
0xba: {  	[dreg:$0x6] =	wrdreg s18  }
0xbb: {  	[dreg:$0x7] =	wrdreg $0x9  }
0xbc: {  	_ =	task.clear_ibuf [dreg:s11], $0x8FFFF;
	_ =	strace $0x90000046  }
0xbd: {  	s29 =	simm.s32 $0x9;
	_ =	strace $0x80000048  }
0xbe: {  	_ =	swait.ge [sflag:s29], $0x1  }
0xbf: {  	[sflag:s29] =	ssyncadd.s32 $0xFFFFFFFF  }
0xc0: {  	_ =	strace $0x90000048  }
0xc1: {  	_ =	sfence  }
0xc2: {  	s30 =	sld [smem:$0x0];
	_ =	sdelay $0x2  }
0xc3: {  	s31 =	sshll.u32 s1, $0xD;
	s1 =	sshrl.u32 s1, $0x2  }
0xc4: {  	s3 =	sand.u32 $0x4000, s31;
	s1 =	sadd.s32 s1, s30  }
0xc5: {  	s0 =	sor.u32 s3, s0;
	s1 =	sshll.u32 s1, $0x11  }
0xc6: {  	s0 =	sor.u32 s1, s0  }
0xc7: {  	s0 =	sadd.s32 $0x8F2B, s0  }
0xc8: {  	[sflag:s0] =	ssyncadd.remote.s32 $0x1  }
0xc9: {  	_ =	sfence.sel $0xFFFF  }
0xca: {  	[dreg:$0x0] =	wrdreg $0xFFFFFFFF;
	(pc) =	sbr.abs _section_cstart, $3  }
0xcb: {  	[dreg:$0x1] =	wrdreg $0xFFFFFFFF  }
0xcc: {  	_ =	task.clear_ibuf [dreg:s11], $0x2FFFF;
	_ =	strace $0x9FFFFFFF  }
0xcd: {  	(tm) =	ssettm $0x7FFFFFFF  }
tec
execute0_lowered:
.L_overlay_start_1:
0x0: {  	(tag) =	ssettag $0x1  }
0x1: {  	s1 =	rddreg [dreg:$0x0]  }
0x2: {  	s3 =	srdreg.scid;
	s0 =	stileid.u32  }
0x3: {  	s2 =	rddreg [dreg:$0x1];
	s20 =	sand.u32 $0x1, s3;
	s30 =	sshll.u32 s0, $0x1  }
0x4: {  	s4 =	rddreg [dreg:$0x2];
	s18 =	sor.u32 s20, s30  }
0x5: {  	s17 =	rddreg [dreg:$0x3];
	s6 =	smul.u32 $0xD, s18  }
0x6: {  	s19 =	rddreg [dreg:$0x4];
	v0 =	vlaneseq.u32;
	s5 =	simm.s32 $0x0  }
0x7: {  	[smem:$0x7FF] =	sst s5;
	v1 =	vadd.s32 s6, v0  }
0x8: {  	s3 =	rddreg [dreg:$0x5];
	_ =	strace $0x80000047;
	v0 =	vshrl.u32 v1, $0x4  }
0x9: {  	[tilespmem:s5], [sflag:$0x3] =	stream.linear.gather [hbm4b:s1+s5], $0x20, $0x38;
	v0 =	vmin.u32 v0, $0x19;
	[tilespmem:$0x1BA30] =	vst v63  }
0xa: {  	s6 =	simm.s32 $0x3  }
0xb: {  	_ =	swait.ge [sflag:s6], $0x20  }
0xc: {  	[sflag:s6] =	ssyncset.done $0x0  }
0xd: {  	[sflag:s6] =	ssyncadd.s32 $0xFFFFFFE0  }
0xe: {  	v2 =	vld.idx.msk [tilespmem:v0+s5+$0x0], $0xffff;
	_ =	sdelay $0x4  }
0xf: {  	v1 =	vand.u32 $0xF, v1;
	v2 =	vshll.u32 v2, $0x4  }
0x10: {  	v2 =	vor.u32 v1, v2  }
0x11: {  	s7 =	simm.s32 $0x8;
	s8 =	simm.s32 $0x20;
	s9 =	simm.s32 $0x30;
	[tilespmem:$0x20] =	vst v2  }
0x12: {  	[tilespmem:s9], [sflag:$0x1] =	stream.indirect.gather [hbm4b:s2+s7], $0x1E00, s8, s7, $0xb8;
	[tilespmem:$0x1BA30] =	vst v63  }
0x13: {  	s10 =	simm.s32 $0x5;
	s11 =	simm.s32 $0x28;
	s12 =	simm.s32 $0xF030  }
0x14: {  	[tilespmem:s12], [sflag:$0x1] =	stream.indirect.gather [hbm4b:s2+s10], $0x1E00, s11, s10, $0xb8;
	[tilespmem:$0x1BA30] =	vst v63  }
0x15: {  	s13 =	simm.s32 $0xD;
	s14 =	simm.s32 $0x18630;
	s15 =	simm.s32 $0x1  }
0x16: {  	[tilespmem:s14], [sflag:$0x1] =	stream.indirect.gather [hbm4b:s4+s13], $0x400, s8, s13, $0xb8;
	[tilespmem:$0x1BA30] =	vst v63  }
0x17: {  	s16 =	smul.u32 $0x30C0, s18;
	_ =	swait.ge [sflag:s15], $0xF000  }
0x18: {  	[sflag:s15] =	ssyncset.done $0x0  }
0x19: {  	s21 =	smul.u32 $0x18600, s18;
	s16 =	sadd.s32 s17, s16;
	[sflag:s15] =	ssyncadd.s32 $0xFFFF1000  }
0x1a: {  	[hbm4b:s16+s5] =	stream.linear.scatter [tilespmem:s9], [sflag:$0x2], $0xF000, $0x38;
	[tilespmem:$0x1BA30] =	vst v63  }
0x1b: {  	s21 =	sshrl.u32 s21, $0x3;
	_ =	swait.ge [sflag:s15], $0x9600  }
0x1c: {  	s17 =	sadd.s32 s17, s21;
	[sflag:s15] =	ssyncset.done $0x0  }
0x1d: {  	s17 =	sadd.s32 $0x1E00, s17;
	[sflag:s15] =	ssyncadd.s32 $0xFFFF6A00  }
0x1e: {  	[hbm4b:s17+s5] =	stream.linear.scatter [tilespmem:s12], [sflag:$0x2], $0x9600, $0x38;
	[tilespmem:$0x1BA30] =	vst v63  }
0x1f: {  	s20 =	ssub.s32 $0x2, s20;
	s18 =	smul.u32 $0x680, s18;
	_ =	swait.ge [sflag:s15], $0x3400  }
0x20: {  	s31 =	sshrl.u32 s20, $0x1;
	[sflag:s15] =	ssyncset.done $0x0  }
0x21: {  	s19 =	sadd.s32 s19, s18;
	s18 =	simm.s32 $0x2;
	[sflag:s15] =	ssyncadd.s32 $0xFFFFCC00  }
0x22: {  	[hbm4b:s19+s5] =	stream.linear.scatter [tilespmem:s14], [sflag:$0x2], $0x3400, $0x38;
	[tilespmem:$0x1BA30] =	vst v63  }
0x23: {  	s20 =	ssub.s32 s20, s31;
	_ =	swait.ge [sflag:s18], $0xF000  }
0x24: {  	s20 =	smax.u32 s20, $0x1;
	[sflag:s18] =	ssyncset.done $0x0  }
0x25: {  	p0 =	sne.s32 s20, $0x1;
	[sflag:s18] =	ssyncadd.s32 $0xFFFF1000  }
.Ltmp0:
0x26: {  	_ =	swait.ge [sflag:s18], $0x9600;
	(pc) =	sbr.rel @!p0 .LBB2_2-.Ltmp0, $4  }
0x27: {  	[sflag:s18] =	ssyncset.done $0x0  }
0x28: {  	[sflag:s18] =	ssyncadd.s32 $0xFFFF6A00  }
0x29: {  	_ =	swait.ge [sflag:s18], $0x3400  }
0x2a: {  	s20 =	sadd.s32 $0xFFFFFFFF, s20;
	[sflag:s18] =	ssyncset.done $0x0  }
.LBB2_1:
0x2b: {  	p0 =	sne.s32 s20, $0x1;
	s20 =	sadd.s32 $0xFFFFFFFF, s20;
	[sflag:s18] =	ssyncadd.s32 $0xFFFFCC00  }
0x2c: {  	[tilespmem:s5], [sflag:$0x3] =	stream.linear.gather [hbm4b:s1+s5], $0x20, $0x38;
	[tilespmem:$0x1BA30] =	vst v63  }
0x2d: {  	_ =	swait.ge [sflag:s6], $0x20  }
0x2e: {  	[sflag:s6] =	ssyncset.done $0x0  }
0x2f: {  	[sflag:s6] =	ssyncadd.s32 $0xFFFFFFE0  }
0x30: {  	v2 =	vld.idx.msk [tilespmem:v0+s5+$0x0], $0xffff;
	_ =	sdelay $0x5  }
0x31: {  	v2 =	vshll.u32 v2, $0x4  }
0x32: {  	v2 =	vor.u32 v1, v2  }
0x33: {  	[tilespmem:$0x20] =	vst v2  }
0x34: {  	[tilespmem:s9], [sflag:$0x1] =	stream.indirect.gather [hbm4b:s2+s7], $0x1E00, s8, s7, $0xb8;
	[tilespmem:$0x1BA30] =	vst v63  }
0x35: {  	_ = 	snop  }
0x36: {  	[tilespmem:s12], [sflag:$0x1] =	stream.indirect.gather [hbm4b:s2+s10], $0x1E00, s11, s10, $0xb8;
	[tilespmem:$0x1BA30] =	vst v63  }
0x37: {  	_ = 	snop  }
0x38: {  	[tilespmem:s14], [sflag:$0x1] =	stream.indirect.gather [hbm4b:s4+s13], $0x400, s8, s13, $0xb8;
	[tilespmem:$0x1BA30] =	vst v63  }
0x39: {  	_ =	swait.ge [sflag:s15], $0xF000  }
0x3a: {  	[sflag:s15] =	ssyncset.done $0x0  }
0x3b: {  	[sflag:s15] =	ssyncadd.s32 $0xFFFF1000  }
0x3c: {  	[hbm4b:s16+s5] =	stream.linear.scatter [tilespmem:s9], [sflag:$0x2], $0xF000, $0x38;
	[tilespmem:$0x1BA30] =	vst v63  }
0x3d: {  	_ =	swait.ge [sflag:s15], $0x9600  }
0x3e: {  	[sflag:s15] =	ssyncset.done $0x0  }
0x3f: {  	[sflag:s15] =	ssyncadd.s32 $0xFFFF6A00  }
0x40: {  	[hbm4b:s17+s5] =	stream.linear.scatter [tilespmem:s12], [sflag:$0x2], $0x9600, $0x38;
	[tilespmem:$0x1BA30] =	vst v63  }
0x41: {  	_ =	swait.ge [sflag:s15], $0x3400  }
0x42: {  	[sflag:s15] =	ssyncset.done $0x0  }
0x43: {  	[sflag:s15] =	ssyncadd.s32 $0xFFFFCC00  }
0x44: {  	[hbm4b:s19+s5] =	stream.linear.scatter [tilespmem:s14], [sflag:$0x2], $0x3400, $0x38;
	[tilespmem:$0x1BA30] =	vst v63  }
0x45: {  	_ =	swait.ge [sflag:s18], $0xF000  }
0x46: {  	[sflag:s18] =	ssyncset.done $0x0  }
0x47: {  	[sflag:s18] =	ssyncadd.s32 $0xFFFF1000  }
.Ltmp1:
0x48: {  	_ =	swait.ge [sflag:s18], $0x9600;
	(pc) =	sbr.rel @p0 .LBB2_1-.Ltmp1, $4  }
0x49: {  	[sflag:s18] =	ssyncset.done $0x0  }
0x4a: {  	[sflag:s18] =	ssyncadd.s32 $0xFFFF6A00  }
0x4b: {  	_ =	swait.ge [sflag:s18], $0x3400  }
0x4c: {  	[sflag:s18] =	ssyncset.done $0x0  }
.LBB2_2:
0x4d: {  	[sflag:s18] =	ssyncadd.s32 $0xFFFFCC00  }
0x4e: {  	_ =	sfence.sel $0x180000  }
0x4f: {  	[bflag:$0x0] =	sbarrier.arrive $0xFFFF  }
0x50: {  	p0 =	sne.s32 s0, $0x0;
	_ =	strace $0x90000047  }
0x51: {  	s0 =	sadd.s32 @!p0 $0x100000, s3;
	[bflag:$0x2] =	sbarrier.arrive $0xFFFF  }
0x52: {  	[sflag:s0] =	ssyncadd.tile.s32 @!p0 $0x1;
	_ =	shalt  }
.Lfunc_end2:
_tile_overlayer_lowered:
.L_overlay_start_2:
0x53: {  	(tag) =	ssettag $0x2  }
0x54: {  	s0 =	rddreg [dreg:$0x0];
	s2 =	stileid.u32  }
0x55: {  	s1 =	rddreg [dreg:$0x1];
	p0 =	sne.s32 s2, $0x0  }
0x56: {  	s3 =	rddreg [dreg:$0x2];
	[bflag:$0x3] =	sbarrier.arrive $0xFFFF;
	s2 =	simm.s32 @!p0 $0x1C03  }
0x57: {  	[timem:s3], [sflag:s2] =	dma.local @!p0 [hbm:s0], s1  }
0x58: {  	s0 =	simm.s32 @!p0 $0x3  }
0x59: {  	_ =	swait.ge @!p0 [sflag:s0], s1  }
0x5a: {  	s1 =	ssub.s32 @!p0 $0x0, s1;
	[sflag:s0] =	ssyncset.done @!p0 $0x0  }
0x5b: {  	[sflag:s0] =	ssyncadd.s32 @!p0 s1  }
0x5c: {  	[bflag:$0x3] =	sbarrier.arrive $0xFFFF  }
0x5d: {  	_ =	shalt  }

</sc_bundles>
